<compile_context>
chip_gen: v7x
topology: tpu7x:2x2x1
jax: 0.10.2.dev20260603
libtpu: 0.0.44.dev20260713+nightly
codegen_flags: <defaults>
</compile_context>

<pallas_src>
import functools

import jax
import jax.numpy as jnp
from jax import lax
from jax.experimental import pallas as pl
from jax.experimental.pallas import tpu as pltpu
from jax.experimental.pallas import tpu_sc as plsc

NUM_EMOTIONS = 1000
EMBED_DIM = 128
BATCH = 16384

_NC = 2
_NS = 16
_NW = _NC * _NS
_BPW = BATCH // _NW
_CHUNK = 64
_NCHUNK = _BPW // _CHUNK
_SLAB = 64
_LAST_OFF = NUM_EMOTIONS - _SLAB

_mesh = plsc.VectorSubcoreMesh(core_axis_name="c", subcore_axis_name="s")


@functools.partial(
    pl.kernel,
    mesh=_mesh,
    out_type=jax.ShapeDtypeStruct((BATCH, EMBED_DIM), jnp.float32),
    scratch_types=[
        pltpu.VMEM((_BPW,), jnp.int32),
        pltpu.VMEM((_BPW, EMBED_DIM), jnp.float32),
        pltpu.VMEM_SHARED((NUM_EMOTIONS, EMBED_DIM), jnp.float32),
    ]
    + [pltpu.SemaphoreType.DMA] * _NCHUNK
    + [pltpu.SemaphoreType.DMA, pltpu.SemaphoreType.DMA],
)
def _emb_lookup(ids_hbm, table_hbm, out_hbm, idx_v, rows_v, table_sp, *sems):
    gsems, osem, ssem = sems[:_NCHUNK], sems[_NCHUNK], sems[_NCHUNK + 1]
    sid = lax.axis_index("s")
    wid = sid * _NC + lax.axis_index("c")
    row0 = wid * _BPW
    soff = pl.multiple_of(
        jnp.where(sid < _NS - 1, sid * _SLAB, _LAST_OFF).astype(jnp.int32), 8
    )
    pltpu.async_copy(
        table_hbm.at[pl.ds(soff, _SLAB)], table_sp.at[pl.ds(soff, _SLAB)], ssem
    )
    pltpu.sync_copy(ids_hbm.at[pl.ds(row0, _BPW)], idx_v)
    pltpu.make_async_copy(
        table_hbm.at[pl.ds(soff, _SLAB)], table_sp.at[pl.ds(soff, _SLAB)], ssem
    ).wait()
    plsc.subcore_barrier()
    gathers = [
        pltpu.async_copy(
            table_sp.at[idx_v.at[pl.ds(j * _CHUNK, _CHUNK)]],
            rows_v.at[pl.ds(j * _CHUNK, _CHUNK)],
            gsems[j],
        )
        for j in range(_NCHUNK)
    ]
    for j in range(_NCHUNK):
        gathers[j].wait()
        pltpu.async_copy(
            rows_v.at[pl.ds(j * _CHUNK, _CHUNK)],
            out_hbm.at[pl.ds(row0 + j * _CHUNK, _CHUNK)],
            osem,
        )
    pltpu.make_async_copy(rows_v, out_hbm.at[pl.ds(row0, _BPW)], osem).wait()


def kernel(emotion_ids, weight):
    return _emb_lookup(emotion_ids.astype(jnp.int32), weight)

# --- scband reference (transcript-rebuilt; emitter-appended) ---
"""Pipeline reference for scband-emotion-embedding-352187318421 (READ-ONLY COPY).

The authoritative reference and input builder live on the scoring server;
editing this copy changes nothing except your own understanding.
"""

import jax, jax.numpy as jnp
import numpy as np

NUM_EMOTIONS = 1000
EMBED_DIM = 128
BATCH = 16384

def setup_inputs(seed: int = 0) -> dict:
    key = jax.random.key(seed)
    k_ids, k_w = jax.random.split(key)
    emotion_ids = jax.random.randint(k_ids, (BATCH,), 0, NUM_EMOTIONS, dtype=jnp.int64 if jax.config.jax_enable_x64 else jnp.int32)
    # nn.init.normal_(weight, mean=0.0, std=0.01)
    weight = jax.random.normal(k_w, (NUM_EMOTIONS, EMBED_DIM), dtype=jnp.float32) * 0.01
    return {"emotion_ids": emotion_ids, "weight": weight}

def reference(emotion_ids, weight):
    # Faithful translation of nn.Embedding lookup
    return jnp.take(weight, emotion_ids, axis=0)

if __name__ == "__main__":
    import jax
    _d = setup_inputs()
    print(jax.jit(kernel)(*tuple(_d.values())))

</pallas_src>

<mosaic_0001>
#map = affine_map<(d0, d1) -> (0)>
#map1 = affine_map<(d0, d1) -> (0, 0)>
module attributes {stable_mosaic.version = 14 : i64} {
  func.func @_emb_lookup(%arg0: i32, %arg1: i32, %arg2: memref<16384xi32, #tpu.memory_space<hbm>>, %arg3: memref<1000x128xf32, #tpu.memory_space<hbm>>, %arg4: memref<16384x128xf32, #tpu.memory_space<hbm>>, %arg5: memref<512xi32, #tpu.memory_space<vmem>>, %arg6: memref<512x128xf32, #tpu.memory_space<vmem>>, %arg7: memref<1000x128xf32, #tpu.memory_space<vmem_shared>>, %arg8: memref<!tpu.dma_semaphore, #tpu.memory_space<semaphore_mem>>, %arg9: memref<!tpu.dma_semaphore, #tpu.memory_space<semaphore_mem>>, %arg10: memref<!tpu.dma_semaphore, #tpu.memory_space<semaphore_mem>>, %arg11: memref<!tpu.dma_semaphore, #tpu.memory_space<semaphore_mem>>, %arg12: memref<!tpu.dma_semaphore, #tpu.memory_space<semaphore_mem>>, %arg13: memref<!tpu.dma_semaphore, #tpu.memory_space<semaphore_mem>>, %arg14: memref<!tpu.dma_semaphore, #tpu.memory_space<semaphore_mem>>, %arg15: memref<!tpu.dma_semaphore, #tpu.memory_space<semaphore_mem>>, %arg16: memref<!tpu.dma_semaphore, #tpu.memory_space<semaphore_mem>>, %arg17: memref<!tpu.dma_semaphore, #tpu.memory_space<semaphore_mem>>) attributes {dimension_semantics = [#tpu.dimension_semantics<core_parallel>, #tpu.dimension_semantics<subcore_parallel>], iteration_bounds = array<i64: 2, 16>, scalar_prefetch = 0 : i64, scratch_operands = 13 : i64, tpu.core_type = #tpu.core_type<sc_vector_subcore>, window_params = [{transform_indices = #map}, {transform_indices = #map1}, {transform_indices = #map1}]} {
    %mul3A = arith.constant 2 : i32
    %mul3A_0 = arith.muli %arg1, %mul3A : i32
    %add3A = arith.addi %mul3A_0, %arg0 : i32
    %mul3A_1 = arith.constant 512 : i32
    %mul3A_2 = arith.muli %add3A, %mul3A_1 : i32
    %lt3A = arith.constant 15 : i32
    %lt3A_3 = arith.cmpi slt, %arg1, %lt3A : i32
    %mul3A_4 = arith.constant 64 : i32
    %mul3A_5 = arith.muli %arg1, %mul3A_4 : i32
    %jit3A = arith.constant 936 : i32
    %select_n3A = arith.select %lt3A_3, %mul3A_5, %jit3A : i32
    %multiple_of3A = tpu.assume_multiple %select_n3A, 8 : i32
    %dma_start3A = arith.constant 0 : i32
    %dma_start3A_6 = tpu.memref_slice %arg7[%multiple_of3A, %dma_start3A] : memref<1000x128xf32, #tpu.memory_space<vmem_shared>> -> memref<64x128xf32, #tpu.memory_space<vmem_shared>>
    %dma_start3A_7 = arith.constant 0 : i32
    %dma_start3A_8 = tpu.memref_slice %arg3[%multiple_of3A, %dma_start3A_7] : memref<1000x128xf32, #tpu.memory_space<hbm>> -> memref<64x128xf32, #tpu.memory_space<hbm>>
    tpu.enqueue_dma source(%dma_start3A_8 : memref<64x128xf32, #tpu.memory_space<hbm>>) target(%dma_start3A_6 : memref<64x128xf32, #tpu.memory_space<vmem_shared>>) target_semaphore(%arg17 : memref<!tpu.dma_semaphore, #tpu.memory_space<semaphore_mem>>)
    "tpu.region"() ({
      %run_scoped3A = tpu.sem_alloc : memref<!tpu.dma_semaphore, #tpu.memory_space<semaphore_mem>>
      %dma_start3A_240 = tpu.memref_slice %arg2[%mul3A_2] : memref<16384xi32, #tpu.memory_space<hbm>> -> memref<512xi32, #tpu.memory_space<hbm>>
      %dma_start3A_241 = tpu.memref_slice %arg2[%mul3A_2] : memref<16384xi32, #tpu.memory_space<hbm>> -> memref<512xi32, #tpu.memory_space<hbm>>
      tpu.enqueue_dma source(%dma_start3A_241 : memref<512xi32, #tpu.memory_space<hbm>>) target(%arg5 : memref<512xi32, #tpu.memory_space<vmem>>) target_semaphore(%run_scoped3A : memref<!tpu.dma_semaphore, #tpu.memory_space<semaphore_mem>>)
      %dma_wait3A_242 = tpu.memref_slice %arg2[%mul3A_2] : memref<16384xi32, #tpu.memory_space<hbm>> -> memref<512xi32, #tpu.memory_space<hbm>>
      %dma_wait3A_243 = tpu.memref_slice %arg2[%mul3A_2] : memref<16384xi32, #tpu.memory_space<hbm>> -> memref<512xi32, #tpu.memory_space<hbm>>
      tpu.wait_dma2 semaphore(%run_scoped3A : memref<!tpu.dma_semaphore, #tpu.memory_space<semaphore_mem>>) src(%dma_wait3A_243 : memref<512xi32, #tpu.memory_space<hbm>>) dst(%arg5 : memref<512xi32, #tpu.memory_space<vmem>>)
      tpu.yield
    }) : () -> ()
    %dma_wait3A = arith.constant 0 : i32
    %dma_wait3A_9 = tpu.memref_slice %arg7[%multiple_of3A, %dma_wait3A] : memref<1000x128xf32, #tpu.memory_space<vmem_shared>> -> memref<64x128xf32, #tpu.memory_space<vmem_shared>>
    %dma_wait3A_10 = arith.constant 0 : i32
    %dma_wait3A_11 = tpu.memref_slice %arg3[%multiple_of3A, %dma_wait3A_10] : memref<1000x128xf32, #tpu.memory_space<hbm>> -> memref<64x128xf32, #tpu.memory_space<hbm>>
    tpu.wait_dma2 semaphore(%arg17 : memref<!tpu.dma_semaphore, #tpu.memory_space<semaphore_mem>>) src(%dma_wait3A_11 : memref<64x128xf32, #tpu.memory_space<hbm>>) dst(%dma_wait3A_9 : memref<64x128xf32, #tpu.memory_space<vmem_shared>>)
    %barrier3A = arith.constant 0 : index
    tpu.barrier barrier_id(%barrier3A)
    %dma_start3A_12 = arith.constant 0 : i32
    %dma_start3A_13 = arith.constant 0 : i32
    %dma_start3A_14 = tpu.memref_slice %arg6[%dma_start3A_12, %dma_start3A_13] : memref<512x128xf32, #tpu.memory_space<vmem>> -> memref<64x128xf32, #tpu.memory_space<vmem>>
    %dma_start3A_15 = arith.constant 0 : i32
    %dma_start3A_16 = tpu.memref_slice %arg5[%dma_start3A_15] : memref<512xi32, #tpu.memory_space<vmem>> -> memref<64xi32, #tpu.memory_space<vmem>>
    %dma_start3A_17 = arith.constant 0 : i32
    %dma_start3A_18 = arith.constant 0 : i32
    %dma_start3A_19 = tpu.memref_slice %arg7[%dma_start3A_17, %dma_start3A_18] : memref<1000x128xf32, #tpu.memory_space<vmem_shared>> -> memref<1000x128xf32, #tpu.memory_space<vmem_shared>>
    tpu.enqueue_indirect_dma source(%dma_start3A_19 : memref<1000x128xf32, #tpu.memory_space<vmem_shared>>) target(%dma_start3A_14 : memref<64x128xf32, #tpu.memory_space<vmem>>) offsets(%dma_start3A_16 : memref<64xi32, #tpu.memory_space<vmem>>) semaphore(%arg8 : memref<!tpu.dma_semaphore, #tpu.memory_space<semaphore_mem>>)
    %dma_start3A_20 = arith.constant 64 : i32
    %dma_start3A_21 = arith.constant 0 : i32
    %dma_start3A_22 = tpu.memref_slice %arg6[%dma_start3A_20, %dma_start3A_21] : memref<512x128xf32, #tpu.memory_space<vmem>> -> memref<64x128xf32, #tpu.memory_space<vmem>>
    %dma_start3A_23 = arith.constant 64 : i32
    %dma_start3A_24 = tpu.memref_slice %arg5[%dma_start3A_23] : memref<512xi32, #tpu.memory_space<vmem>> -> memref<64xi32, #tpu.memory_space<vmem>>
    %dma_start3A_25 = arith.constant 0 : i32
    %dma_start3A_26 = arith.constant 0 : i32
    %dma_start3A_27 = tpu.memref_slice %arg7[%dma_start3A_25, %dma_start3A_26] : memref<1000x128xf32, #tpu.memory_space<vmem_shared>> -> memref<1000x128xf32, #tpu.memory_space<vmem_shared>>
    tpu.enqueue_indirect_dma source(%dma_start3A_27 : memref<1000x128xf32, #tpu.memory_space<vmem_shared>>) target(%dma_start3A_22 : memref<64x128xf32, #tpu.memory_space<vmem>>) offsets(%dma_start3A_24 : memref<64xi32, #tpu.memory_space<vmem>>) semaphore(%arg9 : memref<!tpu.dma_semaphore, #tpu.memory_space<semaphore_mem>>)
    %dma_start3A_28 = arith.constant 128 : i32
    %dma_start3A_29 = arith.constant 0 : i32
    %dma_start3A_30 = tpu.memref_slice %arg6[%dma_start3A_28, %dma_start3A_29] : memref<512x128xf32, #tpu.memory_space<vmem>> -> memref<64x128xf32, #tpu.memory_space<vmem>>
    %dma_start3A_31 = arith.constant 128 : i32
    %dma_start3A_32 = tpu.memref_slice %arg5[%dma_start3A_31] : memref<512xi32, #tpu.memory_space<vmem>> -> memref<64xi32, #tpu.memory_space<vmem>>
    %dma_start3A_33 = arith.constant 0 : i32
    %dma_start3A_34 = arith.constant 0 : i32
    %dma_start3A_35 = tpu.memref_slice %arg7[%dma_start3A_33, %dma_start3A_34] : memref<1000x128xf32, #tpu.memory_space<vmem_shared>> -> memref<1000x128xf32, #tpu.memory_space<vmem_shared>>
    tpu.enqueue_indirect_dma source(%dma_start3A_35 : memref<1000x128xf32, #tpu.memory_space<vmem_shared>>) target(%dma_start3A_30 : memref<64x128xf32, #tpu.memory_space<vmem>>) offsets(%dma_start3A_32 : memref<64xi32, #tpu.memory_space<vmem>>) semaphore(%arg10 : memref<!tpu.dma_semaphore, #tpu.memory_space<semaphore_mem>>)
    %dma_start3A_36 = arith.constant 192 : i32
    %dma_start3A_37 = arith.constant 0 : i32
    %dma_start3A_38 = tpu.memref_slice %arg6[%dma_start3A_36, %dma_start3A_37] : memref<512x128xf32, #tpu.memory_space<vmem>> -> memref<64x128xf32, #tpu.memory_space<vmem>>
    %dma_start3A_39 = arith.constant 192 : i32
    %dma_start3A_40 = tpu.memref_slice %arg5[%dma_start3A_39] : memref<512xi32, #tpu.memory_space<vmem>> -> memref<64xi32, #tpu.memory_space<vmem>>
    %dma_start3A_41 = arith.constant 0 : i32
    %dma_start3A_42 = arith.constant 0 : i32
    %dma_start3A_43 = tpu.memref_slice %arg7[%dma_start3A_41, %dma_start3A_42] : memref<1000x128xf32, #tpu.memory_space<vmem_shared>> -> memref<1000x128xf32, #tpu.memory_space<vmem_shared>>
    tpu.enqueue_indirect_dma source(%dma_start3A_43 : memref<1000x128xf32, #tpu.memory_space<vmem_shared>>) target(%dma_start3A_38 : memref<64x128xf32, #tpu.memory_space<vmem>>) offsets(%dma_start3A_40 : memref<64xi32, #tpu.memory_space<vmem>>) semaphore(%arg11 : memref<!tpu.dma_semaphore, #tpu.memory_space<semaphore_mem>>)
    %dma_start3A_44 = arith.constant 256 : i32
    %dma_start3A_45 = arith.constant 0 : i32
    %dma_start3A_46 = tpu.memref_slice %arg6[%dma_start3A_44, %dma_start3A_45] : memref<512x128xf32, #tpu.memory_space<vmem>> -> memref<64x128xf32, #tpu.memory_space<vmem>>
    %dma_start3A_47 = arith.constant 256 : i32
    %dma_start3A_48 = tpu.memref_slice %arg5[%dma_start3A_47] : memref<512xi32, #tpu.memory_space<vmem>> -> memref<64xi32, #tpu.memory_space<vmem>>
    %dma_start3A_49 = arith.constant 0 : i32
    %dma_start3A_50 = arith.constant 0 : i32
    %dma_start3A_51 = tpu.memref_slice %arg7[%dma_start3A_49, %dma_start3A_50] : memref<1000x128xf32, #tpu.memory_space<vmem_shared>> -> memref<1000x128xf32, #tpu.memory_space<vmem_shared>>
    tpu.enqueue_indirect_dma source(%dma_start3A_51 : memref<1000x128xf32, #tpu.memory_space<vmem_shared>>) target(%dma_start3A_46 : memref<64x128xf32, #tpu.memory_space<vmem>>) offsets(%dma_start3A_48 : memref<64xi32, #tpu.memory_space<vmem>>) semaphore(%arg12 : memref<!tpu.dma_semaphore, #tpu.memory_space<semaphore_mem>>)
    %dma_start3A_52 = arith.constant 320 : i32
    %dma_start3A_53 = arith.constant 0 : i32
    %dma_start3A_54 = tpu.memref_slice %arg6[%dma_start3A_52, %dma_start3A_53] : memref<512x128xf32, #tpu.memory_space<vmem>> -> memref<64x128xf32, #tpu.memory_space<vmem>>
    %dma_start3A_55 = arith.constant 320 : i32
    %dma_start3A_56 = tpu.memref_slice %arg5[%dma_start3A_55] : memref<512xi32, #tpu.memory_space<vmem>> -> memref<64xi32, #tpu.memory_space<vmem>>
    %dma_start3A_57 = arith.constant 0 : i32
    %dma_start3A_58 = arith.constant 0 : i32
    %dma_start3A_59 = tpu.memref_slice %arg7[%dma_start3A_57, %dma_start3A_58] : memref<1000x128xf32, #tpu.memory_space<vmem_shared>> -> memref<1000x128xf32, #tpu.memory_space<vmem_shared>>
    tpu.enqueue_indirect_dma source(%dma_start3A_59 : memref<1000x128xf32, #tpu.memory_space<vmem_shared>>) target(%dma_start3A_54 : memref<64x128xf32, #tpu.memory_space<vmem>>) offsets(%dma_start3A_56 : memref<64xi32, #tpu.memory_space<vmem>>) semaphore(%arg13 : memref<!tpu.dma_semaphore, #tpu.memory_space<semaphore_mem>>)
    %dma_start3A_60 = arith.constant 384 : i32
    %dma_start3A_61 = arith.constant 0 : i32
    %dma_start3A_62 = tpu.memref_slice %arg6[%dma_start3A_60, %dma_start3A_61] : memref<512x128xf32, #tpu.memory_space<vmem>> -> memref<64x128xf32, #tpu.memory_space<vmem>>
    %dma_start3A_63 = arith.constant 384 : i32
    %dma_start3A_64 = tpu.memref_slice %arg5[%dma_start3A_63] : memref<512xi32, #tpu.memory_space<vmem>> -> memref<64xi32, #tpu.memory_space<vmem>>
    %dma_start3A_65 = arith.constant 0 : i32
    %dma_start3A_66 = arith.constant 0 : i32
    %dma_start3A_67 = tpu.memref_slice %arg7[%dma_start3A_65, %dma_start3A_66] : memref<1000x128xf32, #tpu.memory_space<vmem_shared>> -> memref<1000x128xf32, #tpu.memory_space<vmem_shared>>
    tpu.enqueue_indirect_dma source(%dma_start3A_67 : memref<1000x128xf32, #tpu.memory_space<vmem_shared>>) target(%dma_start3A_62 : memref<64x128xf32, #tpu.memory_space<vmem>>) offsets(%dma_start3A_64 : memref<64xi32, #tpu.memory_space<vmem>>) semaphore(%arg14 : memref<!tpu.dma_semaphore, #tpu.memory_space<semaphore_mem>>)
    %dma_start3A_68 = arith.constant 448 : i32
    %dma_start3A_69 = arith.constant 0 : i32
    %dma_start3A_70 = tpu.memref_slice %arg6[%dma_start3A_68, %dma_start3A_69] : memref<512x128xf32, #tpu.memory_space<vmem>> -> memref<64x128xf32, #tpu.memory_space<vmem>>
    %dma_start3A_71 = arith.constant 448 : i32
    %dma_start3A_72 = tpu.memref_slice %arg5[%dma_start3A_71] : memref<512xi32, #tpu.memory_space<vmem>> -> memref<64xi32, #tpu.memory_space<vmem>>
    %dma_start3A_73 = arith.constant 0 : i32
    %dma_start3A_74 = arith.constant 0 : i32
    %dma_start3A_75 = tpu.memref_slice %arg7[%dma_start3A_73, %dma_start3A_74] : memref<1000x128xf32, #tpu.memory_space<vmem_shared>> -> memref<1000x128xf32, #tpu.memory_space<vmem_shared>>
    tpu.enqueue_indirect_dma source(%dma_start3A_75 : memref<1000x128xf32, #tpu.memory_space<vmem_shared>>) target(%dma_start3A_70 : memref<64x128xf32, #tpu.memory_space<vmem>>) offsets(%dma_start3A_72 : memref<64xi32, #tpu.memory_space<vmem>>) semaphore(%arg15 : memref<!tpu.dma_semaphore, #tpu.memory_space<semaphore_mem>>)
    %dma_wait3A_76 = arith.constant 0 : i32
    %dma_wait3A_77 = arith.constant 0 : i32
    %dma_wait3A_78 = tpu.memref_slice %arg6[%dma_wait3A_76, %dma_wait3A_77] : memref<512x128xf32, #tpu.memory_space<vmem>> -> memref<64x128xf32, #tpu.memory_space<vmem>>
    %dma_wait3A_79 = arith.constant 0 : i32
    %dma_wait3A_80 = tpu.memref_slice %arg5[%dma_wait3A_79] : memref<512xi32, #tpu.memory_space<vmem>> -> memref<64xi32, #tpu.memory_space<vmem>>
    %dma_wait3A_81 = arith.constant 0 : i32
    %dma_wait3A_82 = arith.constant 0 : i32
    %dma_wait3A_83 = tpu.memref_slice %arg7[%dma_wait3A_81, %dma_wait3A_82] : memref<1000x128xf32, #tpu.memory_space<vmem_shared>> -> memref<1000x128xf32, #tpu.memory_space<vmem_shared>>
    tpu.wait_indirect_dma semaphore(%arg8 : memref<!tpu.dma_semaphore, #tpu.memory_space<semaphore_mem>>) src(%dma_wait3A_83 : memref<1000x128xf32, #tpu.memory_space<vmem_shared>>) dst(%dma_wait3A_78 : memref<64x128xf32, #tpu.memory_space<vmem>>)
    %add3A_84 = arith.constant 0 : i32
    %add3A_85 = arith.addi %mul3A_2, %add3A_84 : i32
    %dma_start3A_86 = arith.constant 0 : i32
    %dma_start3A_87 = arith.constant 0 : i32
    %dma_start3A_88 = tpu.memref_slice %arg6[%dma_start3A_86, %dma_start3A_87] : memref<512x128xf32, #tpu.memory_space<vmem>> -> memref<64x128xf32, #tpu.memory_space<vmem>>
    %dma_start3A_89 = arith.constant 0 : i32
    %dma_start3A_90 = tpu.memref_slice %arg4[%add3A_85, %dma_start3A_89] : memref<16384x128xf32, #tpu.memory_space<hbm>> -> memref<64x128xf32, #tpu.memory_space<hbm>>
    %dma_start3A_91 = arith.constant 0 : i32
    %dma_start3A_92 = tpu.memref_slice %arg4[%add3A_85, %dma_start3A_91] : memref<16384x128xf32, #tpu.memory_space<hbm>> -> memref<64x128xf32, #tpu.memory_space<hbm>>
    %dma_start3A_93 = arith.constant 0 : i32
    %dma_start3A_94 = arith.constant 0 : i32
    %dma_start3A_95 = tpu.memref_slice %arg6[%dma_start3A_93, %dma_start3A_94] : memref<512x128xf32, #tpu.memory_space<vmem>> -> memref<64x128xf32, #tpu.memory_space<vmem>>
    tpu.enqueue_dma source(%dma_start3A_95 : memref<64x128xf32, #tpu.memory_space<vmem>>) target(%dma_start3A_92 : memref<64x128xf32, #tpu.memory_space<hbm>>) target_semaphore(%arg16 : memref<!tpu.dma_semaphore, #tpu.memory_space<semaphore_mem>>)
    %dma_wait3A_96 = arith.constant 64 : i32
    %dma_wait3A_97 = arith.constant 0 : i32
    %dma_wait3A_98 = tpu.memref_slice %arg6[%dma_wait3A_96, %dma_wait3A_97] : memref<512x128xf32, #tpu.memory_space<vmem>> -> memref<64x128xf32, #tpu.memory_space<vmem>>
    %dma_wait3A_99 = arith.constant 64 : i32
    %dma_wait3A_100 = tpu.memref_slice %arg5[%dma_wait3A_99] : memref<512xi32, #tpu.memory_space<vmem>> -> memref<64xi32, #tpu.memory_space<vmem>>
    %dma_wait3A_101 = arith.constant 0 : i32
    %dma_wait3A_102 = arith.constant 0 : i32
    %dma_wait3A_103 = tpu.memref_slice %arg7[%dma_wait3A_101, %dma_wait3A_102] : memref<1000x128xf32, #tpu.memory_space<vmem_shared>> -> memref<1000x128xf32, #tpu.memory_space<vmem_shared>>
    tpu.wait_indirect_dma semaphore(%arg9 : memref<!tpu.dma_semaphore, #tpu.memory_space<semaphore_mem>>) src(%dma_wait3A_103 : memref<1000x128xf32, #tpu.memory_space<vmem_shared>>) dst(%dma_wait3A_98 : memref<64x128xf32, #tpu.memory_space<vmem>>)
    %add3A_104 = arith.constant 64 : i32
    %add3A_105 = arith.addi %mul3A_2, %add3A_104 : i32
    %dma_start3A_106 = arith.constant 64 : i32
    %dma_start3A_107 = arith.constant 0 : i32
    %dma_start3A_108 = tpu.memref_slice %arg6[%dma_start3A_106, %dma_start3A_107] : memref<512x128xf32, #tpu.memory_space<vmem>> -> memref<64x128xf32, #tpu.memory_space<vmem>>
    %dma_start3A_109 = arith.constant 0 : i32
    %dma_start3A_110 = tpu.memref_slice %arg4[%add3A_105, %dma_start3A_109] : memref<16384x128xf32, #tpu.memory_space<hbm>> -> memref<64x128xf32, #tpu.memory_space<hbm>>
    %dma_start3A_111 = arith.constant 0 : i32
    %dma_start3A_112 = tpu.memref_slice %arg4[%add3A_105, %dma_start3A_111] : memref<16384x128xf32, #tpu.memory_space<hbm>> -> memref<64x128xf32, #tpu.memory_space<hbm>>
    %dma_start3A_113 = arith.constant 64 : i32
    %dma_start3A_114 = arith.constant 0 : i32
    %dma_start3A_115 = tpu.memref_slice %arg6[%dma_start3A_113, %dma_start3A_114] : memref<512x128xf32, #tpu.memory_space<vmem>> -> memref<64x128xf32, #tpu.memory_space<vmem>>
    tpu.enqueue_dma source(%dma_start3A_115 : memref<64x128xf32, #tpu.memory_space<vmem>>) target(%dma_start3A_112 : memref<64x128xf32, #tpu.memory_space<hbm>>) target_semaphore(%arg16 : memref<!tpu.dma_semaphore, #tpu.memory_space<semaphore_mem>>)
    %dma_wait3A_116 = arith.constant 128 : i32
    %dma_wait3A_117 = arith.constant 0 : i32
    %dma_wait3A_118 = tpu.memref_slice %arg6[%dma_wait3A_116, %dma_wait3A_117] : memref<512x128xf32, #tpu.memory_space<vmem>> -> memref<64x128xf32, #tpu.memory_space<vmem>>
    %dma_wait3A_119 = arith.constant 128 : i32
    %dma_wait3A_120 = tpu.memref_slice %arg5[%dma_wait3A_119] : memref<512xi32, #tpu.memory_space<vmem>> -> memref<64xi32, #tpu.memory_space<vmem>>
    %dma_wait3A_121 = arith.constant 0 : i32
    %dma_wait3A_122 = arith.constant 0 : i32
    %dma_wait3A_123 = tpu.memref_slice %arg7[%dma_wait3A_121, %dma_wait3A_122] : memref<1000x128xf32, #tpu.memory_space<vmem_shared>> -> memref<1000x128xf32, #tpu.memory_space<vmem_shared>>
    tpu.wait_indirect_dma semaphore(%arg10 : memref<!tpu.dma_semaphore, #tpu.memory_space<semaphore_mem>>) src(%dma_wait3A_123 : memref<1000x128xf32, #tpu.memory_space<vmem_shared>>) dst(%dma_wait3A_118 : memref<64x128xf32, #tpu.memory_space<vmem>>)
    %add3A_124 = arith.constant 128 : i32
    %add3A_125 = arith.addi %mul3A_2, %add3A_124 : i32
    %dma_start3A_126 = arith.constant 128 : i32
    %dma_start3A_127 = arith.constant 0 : i32
    %dma_start3A_128 = tpu.memref_slice %arg6[%dma_start3A_126, %dma_start3A_127] : memref<512x128xf32, #tpu.memory_space<vmem>> -> memref<64x128xf32, #tpu.memory_space<vmem>>
    %dma_start3A_129 = arith.constant 0 : i32
    %dma_start3A_130 = tpu.memref_slice %arg4[%add3A_125, %dma_start3A_129] : memref<16384x128xf32, #tpu.memory_space<hbm>> -> memref<64x128xf32, #tpu.memory_space<hbm>>
    %dma_start3A_131 = arith.constant 0 : i32
    %dma_start3A_132 = tpu.memref_slice %arg4[%add3A_125, %dma_start3A_131] : memref<16384x128xf32, #tpu.memory_space<hbm>> -> memref<64x128xf32, #tpu.memory_space<hbm>>
    %dma_start3A_133 = arith.constant 128 : i32
    %dma_start3A_134 = arith.constant 0 : i32
    %dma_start3A_135 = tpu.memref_slice %arg6[%dma_start3A_133, %dma_start3A_134] : memref<512x128xf32, #tpu.memory_space<vmem>> -> memref<64x128xf32, #tpu.memory_space<vmem>>
    tpu.enqueue_dma source(%dma_start3A_135 : memref<64x128xf32, #tpu.memory_space<vmem>>) target(%dma_start3A_132 : memref<64x128xf32, #tpu.memory_space<hbm>>) target_semaphore(%arg16 : memref<!tpu.dma_semaphore, #tpu.memory_space<semaphore_mem>>)
    %dma_wait3A_136 = arith.constant 192 : i32
    %dma_wait3A_137 = arith.constant 0 : i32
    %dma_wait3A_138 = tpu.memref_slice %arg6[%dma_wait3A_136, %dma_wait3A_137] : memref<512x128xf32, #tpu.memory_space<vmem>> -> memref<64x128xf32, #tpu.memory_space<vmem>>
    %dma_wait3A_139 = arith.constant 192 : i32
    %dma_wait3A_140 = tpu.memref_slice %arg5[%dma_wait3A_139] : memref<512xi32, #tpu.memory_space<vmem>> -> memref<64xi32, #tpu.memory_space<vmem>>
    %dma_wait3A_141 = arith.constant 0 : i32
    %dma_wait3A_142 = arith.constant 0 : i32
    %dma_wait3A_143 = tpu.memref_slice %arg7[%dma_wait3A_141, %dma_wait3A_142] : memref<1000x128xf32, #tpu.memory_space<vmem_shared>> -> memref<1000x128xf32, #tpu.memory_space<vmem_shared>>
    tpu.wait_indirect_dma semaphore(%arg11 : memref<!tpu.dma_semaphore, #tpu.memory_space<semaphore_mem>>) src(%dma_wait3A_143 : memref<1000x128xf32, #tpu.memory_space<vmem_shared>>) dst(%dma_wait3A_138 : memref<64x128xf32, #tpu.memory_space<vmem>>)
    %add3A_144 = arith.constant 192 : i32
    %add3A_145 = arith.addi %mul3A_2, %add3A_144 : i32
    %dma_start3A_146 = arith.constant 192 : i32
    %dma_start3A_147 = arith.constant 0 : i32
    %dma_start3A_148 = tpu.memref_slice %arg6[%dma_start3A_146, %dma_start3A_147] : memref<512x128xf32, #tpu.memory_space<vmem>> -> memref<64x128xf32, #tpu.memory_space<vmem>>
    %dma_start3A_149 = arith.constant 0 : i32
    %dma_start3A_150 = tpu.memref_slice %arg4[%add3A_145, %dma_start3A_149] : memref<16384x128xf32, #tpu.memory_space<hbm>> -> memref<64x128xf32, #tpu.memory_space<hbm>>
    %dma_start3A_151 = arith.constant 0 : i32
    %dma_start3A_152 = tpu.memref_slice %arg4[%add3A_145, %dma_start3A_151] : memref<16384x128xf32, #tpu.memory_space<hbm>> -> memref<64x128xf32, #tpu.memory_space<hbm>>
    %dma_start3A_153 = arith.constant 192 : i32
    %dma_start3A_154 = arith.constant 0 : i32
    %dma_start3A_155 = tpu.memref_slice %arg6[%dma_start3A_153, %dma_start3A_154] : memref<512x128xf32, #tpu.memory_space<vmem>> -> memref<64x128xf32, #tpu.memory_space<vmem>>
    tpu.enqueue_dma source(%dma_start3A_155 : memref<64x128xf32, #tpu.memory_space<vmem>>) target(%dma_start3A_152 : memref<64x128xf32, #tpu.memory_space<hbm>>) target_semaphore(%arg16 : memref<!tpu.dma_semaphore, #tpu.memory_space<semaphore_mem>>)
    %dma_wait3A_156 = arith.constant 256 : i32
    %dma_wait3A_157 = arith.constant 0 : i32
    %dma_wait3A_158 = tpu.memref_slice %arg6[%dma_wait3A_156, %dma_wait3A_157] : memref<512x128xf32, #tpu.memory_space<vmem>> -> memref<64x128xf32, #tpu.memory_space<vmem>>
    %dma_wait3A_159 = arith.constant 256 : i32
    %dma_wait3A_160 = tpu.memref_slice %arg5[%dma_wait3A_159] : memref<512xi32, #tpu.memory_space<vmem>> -> memref<64xi32, #tpu.memory_space<vmem>>
    %dma_wait3A_161 = arith.constant 0 : i32
    %dma_wait3A_162 = arith.constant 0 : i32
    %dma_wait3A_163 = tpu.memref_slice %arg7[%dma_wait3A_161, %dma_wait3A_162] : memref<1000x128xf32, #tpu.memory_space<vmem_shared>> -> memref<1000x128xf32, #tpu.memory_space<vmem_shared>>
    tpu.wait_indirect_dma semaphore(%arg12 : memref<!tpu.dma_semaphore, #tpu.memory_space<semaphore_mem>>) src(%dma_wait3A_163 : memref<1000x128xf32, #tpu.memory_space<vmem_shared>>) dst(%dma_wait3A_158 : memref<64x128xf32, #tpu.memory_space<vmem>>)
    %add3A_164 = arith.constant 256 : i32
    %add3A_165 = arith.addi %mul3A_2, %add3A_164 : i32
    %dma_start3A_166 = arith.constant 256 : i32
    %dma_start3A_167 = arith.constant 0 : i32
    %dma_start3A_168 = tpu.memref_slice %arg6[%dma_start3A_166, %dma_start3A_167] : memref<512x128xf32, #tpu.memory_space<vmem>> -> memref<64x128xf32, #tpu.memory_space<vmem>>
    %dma_start3A_169 = arith.constant 0 : i32
    %dma_start3A_170 = tpu.memref_slice %arg4[%add3A_165, %dma_start3A_169] : memref<16384x128xf32, #tpu.memory_space<hbm>> -> memref<64x128xf32, #tpu.memory_space<hbm>>
    %dma_start3A_171 = arith.constant 0 : i32
    %dma_start3A_172 = tpu.memref_slice %arg4[%add3A_165, %dma_start3A_171] : memref<16384x128xf32, #tpu.memory_space<hbm>> -> memref<64x128xf32, #tpu.memory_space<hbm>>
    %dma_start3A_173 = arith.constant 256 : i32
    %dma_start3A_174 = arith.constant 0 : i32
    %dma_start3A_175 = tpu.memref_slice %arg6[%dma_start3A_173, %dma_start3A_174] : memref<512x128xf32, #tpu.memory_space<vmem>> -> memref<64x128xf32, #tpu.memory_space<vmem>>
    tpu.enqueue_dma source(%dma_start3A_175 : memref<64x128xf32, #tpu.memory_space<vmem>>) target(%dma_start3A_172 : memref<64x128xf32, #tpu.memory_space<hbm>>) target_semaphore(%arg16 : memref<!tpu.dma_semaphore, #tpu.memory_space<semaphore_mem>>)
    %dma_wait3A_176 = arith.constant 320 : i32
    %dma_wait3A_177 = arith.constant 0 : i32
    %dma_wait3A_178 = tpu.memref_slice %arg6[%dma_wait3A_176, %dma_wait3A_177] : memref<512x128xf32, #tpu.memory_space<vmem>> -> memref<64x128xf32, #tpu.memory_space<vmem>>
    %dma_wait3A_179 = arith.constant 320 : i32
    %dma_wait3A_180 = tpu.memref_slice %arg5[%dma_wait3A_179] : memref<512xi32, #tpu.memory_space<vmem>> -> memref<64xi32, #tpu.memory_space<vmem>>
    %dma_wait3A_181 = arith.constant 0 : i32
    %dma_wait3A_182 = arith.constant 0 : i32
    %dma_wait3A_183 = tpu.memref_slice %arg7[%dma_wait3A_181, %dma_wait3A_182] : memref<1000x128xf32, #tpu.memory_space<vmem_shared>> -> memref<1000x128xf32, #tpu.memory_space<vmem_shared>>
    tpu.wait_indirect_dma semaphore(%arg13 : memref<!tpu.dma_semaphore, #tpu.memory_space<semaphore_mem>>) src(%dma_wait3A_183 : memref<1000x128xf32, #tpu.memory_space<vmem_shared>>) dst(%dma_wait3A_178 : memref<64x128xf32, #tpu.memory_space<vmem>>)
    %add3A_184 = arith.constant 320 : i32
    %add3A_185 = arith.addi %mul3A_2, %add3A_184 : i32
    %dma_start3A_186 = arith.constant 320 : i32
    %dma_start3A_187 = arith.constant 0 : i32
    %dma_start3A_188 = tpu.memref_slice %arg6[%dma_start3A_186, %dma_start3A_187] : memref<512x128xf32, #tpu.memory_space<vmem>> -> memref<64x128xf32, #tpu.memory_space<vmem>>
    %dma_start3A_189 = arith.constant 0 : i32
    %dma_start3A_190 = tpu.memref_slice %arg4[%add3A_185, %dma_start3A_189] : memref<16384x128xf32, #tpu.memory_space<hbm>> -> memref<64x128xf32, #tpu.memory_space<hbm>>
    %dma_start3A_191 = arith.constant 0 : i32
    %dma_start3A_192 = tpu.memref_slice %arg4[%add3A_185, %dma_start3A_191] : memref<16384x128xf32, #tpu.memory_space<hbm>> -> memref<64x128xf32, #tpu.memory_space<hbm>>
    %dma_start3A_193 = arith.constant 320 : i32
    %dma_start3A_194 = arith.constant 0 : i32
    %dma_start3A_195 = tpu.memref_slice %arg6[%dma_start3A_193, %dma_start3A_194] : memref<512x128xf32, #tpu.memory_space<vmem>> -> memref<64x128xf32, #tpu.memory_space<vmem>>
    tpu.enqueue_dma source(%dma_start3A_195 : memref<64x128xf32, #tpu.memory_space<vmem>>) target(%dma_start3A_192 : memref<64x128xf32, #tpu.memory_space<hbm>>) target_semaphore(%arg16 : memref<!tpu.dma_semaphore, #tpu.memory_space<semaphore_mem>>)
    %dma_wait3A_196 = arith.constant 384 : i32
    %dma_wait3A_197 = arith.constant 0 : i32
    %dma_wait3A_198 = tpu.memref_slice %arg6[%dma_wait3A_196, %dma_wait3A_197] : memref<512x128xf32, #tpu.memory_space<vmem>> -> memref<64x128xf32, #tpu.memory_space<vmem>>
    %dma_wait3A_199 = arith.constant 384 : i32
    %dma_wait3A_200 = tpu.memref_slice %arg5[%dma_wait3A_199] : memref<512xi32, #tpu.memory_space<vmem>> -> memref<64xi32, #tpu.memory_space<vmem>>
    %dma_wait3A_201 = arith.constant 0 : i32
    %dma_wait3A_202 = arith.constant 0 : i32
    %dma_wait3A_203 = tpu.memref_slice %arg7[%dma_wait3A_201, %dma_wait3A_202] : memref<1000x128xf32, #tpu.memory_space<vmem_shared>> -> memref<1000x128xf32, #tpu.memory_space<vmem_shared>>
    tpu.wait_indirect_dma semaphore(%arg14 : memref<!tpu.dma_semaphore, #tpu.memory_space<semaphore_mem>>) src(%dma_wait3A_203 : memref<1000x128xf32, #tpu.memory_space<vmem_shared>>) dst(%dma_wait3A_198 : memref<64x128xf32, #tpu.memory_space<vmem>>)
    %add3A_204 = arith.constant 384 : i32
    %add3A_205 = arith.addi %mul3A_2, %add3A_204 : i32
    %dma_start3A_206 = arith.constant 384 : i32
    %dma_start3A_207 = arith.constant 0 : i32
    %dma_start3A_208 = tpu.memref_slice %arg6[%dma_start3A_206, %dma_start3A_207] : memref<512x128xf32, #tpu.memory_space<vmem>> -> memref<64x128xf32, #tpu.memory_space<vmem>>
    %dma_start3A_209 = arith.constant 0 : i32
    %dma_start3A_210 = tpu.memref_slice %arg4[%add3A_205, %dma_start3A_209] : memref<16384x128xf32, #tpu.memory_space<hbm>> -> memref<64x128xf32, #tpu.memory_space<hbm>>
    %dma_start3A_211 = arith.constant 0 : i32
    %dma_start3A_212 = tpu.memref_slice %arg4[%add3A_205, %dma_start3A_211] : memref<16384x128xf32, #tpu.memory_space<hbm>> -> memref<64x128xf32, #tpu.memory_space<hbm>>
    %dma_start3A_213 = arith.constant 384 : i32
    %dma_start3A_214 = arith.constant 0 : i32
    %dma_start3A_215 = tpu.memref_slice %arg6[%dma_start3A_213, %dma_start3A_214] : memref<512x128xf32, #tpu.memory_space<vmem>> -> memref<64x128xf32, #tpu.memory_space<vmem>>
    tpu.enqueue_dma source(%dma_start3A_215 : memref<64x128xf32, #tpu.memory_space<vmem>>) target(%dma_start3A_212 : memref<64x128xf32, #tpu.memory_space<hbm>>) target_semaphore(%arg16 : memref<!tpu.dma_semaphore, #tpu.memory_space<semaphore_mem>>)
    %dma_wait3A_216 = arith.constant 448 : i32
    %dma_wait3A_217 = arith.constant 0 : i32
    %dma_wait3A_218 = tpu.memref_slice %arg6[%dma_wait3A_216, %dma_wait3A_217] : memref<512x128xf32, #tpu.memory_space<vmem>> -> memref<64x128xf32, #tpu.memory_space<vmem>>
    %dma_wait3A_219 = arith.constant 448 : i32
    %dma_wait3A_220 = tpu.memref_slice %arg5[%dma_wait3A_219] : memref<512xi32, #tpu.memory_space<vmem>> -> memref<64xi32, #tpu.memory_space<vmem>>
    %dma_wait3A_221 = arith.constant 0 : i32
    %dma_wait3A_222 = arith.constant 0 : i32
    %dma_wait3A_223 = tpu.memref_slice %arg7[%dma_wait3A_221, %dma_wait3A_222] : memref<1000x128xf32, #tpu.memory_space<vmem_shared>> -> memref<1000x128xf32, #tpu.memory_space<vmem_shared>>
    tpu.wait_indirect_dma semaphore(%arg15 : memref<!tpu.dma_semaphore, #tpu.memory_space<semaphore_mem>>) src(%dma_wait3A_223 : memref<1000x128xf32, #tpu.memory_space<vmem_shared>>) dst(%dma_wait3A_218 : memref<64x128xf32, #tpu.memory_space<vmem>>)
    %add3A_224 = arith.constant 448 : i32
    %add3A_225 = arith.addi %mul3A_2, %add3A_224 : i32
    %dma_start3A_226 = arith.constant 448 : i32
    %dma_start3A_227 = arith.constant 0 : i32
    %dma_start3A_228 = tpu.memref_slice %arg6[%dma_start3A_226, %dma_start3A_227] : memref<512x128xf32, #tpu.memory_space<vmem>> -> memref<64x128xf32, #tpu.memory_space<vmem>>
    %dma_start3A_229 = arith.constant 0 : i32
    %dma_start3A_230 = tpu.memref_slice %arg4[%add3A_225, %dma_start3A_229] : memref<16384x128xf32, #tpu.memory_space<hbm>> -> memref<64x128xf32, #tpu.memory_space<hbm>>
    %dma_start3A_231 = arith.constant 0 : i32
    %dma_start3A_232 = tpu.memref_slice %arg4[%add3A_225, %dma_start3A_231] : memref<16384x128xf32, #tpu.memory_space<hbm>> -> memref<64x128xf32, #tpu.memory_space<hbm>>
    %dma_start3A_233 = arith.constant 448 : i32
    %dma_start3A_234 = arith.constant 0 : i32
    %dma_start3A_235 = tpu.memref_slice %arg6[%dma_start3A_233, %dma_start3A_234] : memref<512x128xf32, #tpu.memory_space<vmem>> -> memref<64x128xf32, #tpu.memory_space<vmem>>
    tpu.enqueue_dma source(%dma_start3A_235 : memref<64x128xf32, #tpu.memory_space<vmem>>) target(%dma_start3A_232 : memref<64x128xf32, #tpu.memory_space<hbm>>) target_semaphore(%arg16 : memref<!tpu.dma_semaphore, #tpu.memory_space<semaphore_mem>>)
    %dma_wait3A_236 = arith.constant 0 : i32
    %dma_wait3A_237 = tpu.memref_slice %arg4[%mul3A_2, %dma_wait3A_236] : memref<16384x128xf32, #tpu.memory_space<hbm>> -> memref<512x128xf32, #tpu.memory_space<hbm>>
    %dma_wait3A_238 = arith.constant 0 : i32
    %dma_wait3A_239 = tpu.memref_slice %arg4[%mul3A_2, %dma_wait3A_238] : memref<16384x128xf32, #tpu.memory_space<hbm>> -> memref<512x128xf32, #tpu.memory_space<hbm>>
    tpu.wait_dma2 semaphore(%arg16 : memref<!tpu.dma_semaphore, #tpu.memory_space<semaphore_mem>>) src(%arg6 : memref<512x128xf32, #tpu.memory_space<vmem>>) dst(%dma_wait3A_239 : memref<512x128xf32, #tpu.memory_space<hbm>>)
    return
  }
}

</mosaic_0001>

<sc_bundles>
// kernel: kernel.3.cloned.1.call-start
scs
__scs_entry_jumppad:
0x0: {  	(pc) =	sbr.rel $0x88, $3  }
0x1: {  	(tag) =	ssettag $0x0;
	lr =	simm.s32 $0x1  }
0x2: {  	[smem:$0x3F9F] =	sst lr;
	_ =	strace $0xD0000000  }
0x3: {  	_ = 	snop  }
0x4: {  	_ = 	snop  }
0x5: {  	_ = 	snop  }
0x6: {  	_ = 	snop  }
0x7: {  	_ = 	snop  }
__scs_overlays_trampoline_lowered:
0x8: {  	[smem:$0x3FAE] =	sst s0  }
0x9: {  	[smem:$0x3FAF] =	sst s1  }
0xa: {  	[smem:$0x3FB0] =	sst s2  }
0xb: {  	[smem:$0x3FB1] =	sst s3  }
0xc: {  	[smem:$0x3FB2] =	sst s4  }
0xd: {  	[smem:$0x3FB3] =	sst s5  }
0xe: {  	[smem:$0x3FB4] =	sst s6  }
0xf: {  	[smem:$0x3FB5] =	sst s7  }
0x10: {  	[smem:$0x3FB6] =	sst s8  }
0x11: {  	[smem:$0x3FB7] =	sst s9;
	s0 =	simm.s32 @!p0 $0x0  }
0x12: {  	s1 =	sld [smem:$0x3F9D];
	s0 =	simm.s32 @p0 $0x1  }
0x13: {  	[smem:$0x3FB8] =	sst s0;
	s0 =	simm.s32 @!p1 $0x0  }
0x14: {  	s2 =	sld [smem:$0x3F9C];
	s0 =	simm.s32 @p1 $0x1  }
0x15: {  	[smem:$0x3FB9] =	sst s0;
	s0 =	simm.s32 @!p2 $0x0  }
0x16: {  	s3 =	sld [smem:$0x3FDB];
	s0 =	simm.s32 @p2 $0x1  }
0x17: {  	s4 =	simm.s32 $0x1BF5;
	[smem:$0x3FBB] =	sst s0  }
0x18: {  	s0 =	sld [smem:$0x3F9E];
	_ =	swait.ge [sflag:s4], $0x0  }
0x19: {  	s7 =	sld [smem:$0x3F9F]  }
0x1a: {  	s8 =	sadd.s32 $0xFFFFE003, lr  }
0x1b: {  	s9 =	sadd.s32 $0xFFFFFEF7, lr;
	s5 =	simm.s32 $0xFFFFFFFF;
	p2 =	slt.u32 s8, $0xFFFFF086  }
0x1c: {  	p1 =	slt.u32 s9, $0xF7A;
	s5 =	simm.s32 @!p2 $0x0  }
0x1d: {  	s5 =	simm.s32 @p1 $0x1;
	p0 =	seq.s32 s7, s2  }
0x1e: {  	s7 =	smul.u32 @!p0 $0xF7A, s2;
	p2 =	seq.s32 @!p0 s5, $0x0  }
0x1f: {  	s9 =	smul.u32 $0xF7A, s1;
	s8 =	simm.s32 @!p0 $0x1BF5;
	p2 =	por !p2, p0  }
0x20: {  	[sflag:s8] =	ssyncset.s32 @!p0 $0xFFFFF086;
	s6 =	sadd.s32 @!p0 s3, s7;
	s7 =	simm.s32 @!p0 $0x108  }
0x21: {  	s3 =	sadd.s32 s3, s9;
	s6 =	sadd.s32 @!p0 $0x88, s6;
	s7 =	simm.s32 @p2 $0x1082  }
0x22: {  	[simem:s7], [sflag:s8] =	dma.local @!p0 [hbm:s6], $0xF7A  }
0x23: {  	s9 =	sor.u32 $0xD0000000, s2;
	s6 =	simm.s32 $0x108;
	_ =	swait.ge @!p0 [sflag:s8], $0x0  }
0x24: {  	s3 =	sadd.s32 $0x88, s3;
	s6 =	simm.s32 @!p1 $0x1082;
	[sflag:s4] =	ssyncset.s32 $0xFFFFF086  }
0x25: {  	[simem:s6], [sflag:s4] =	dma.local [hbm:s3], $0xF7A  }
0x26: {  	[smem:$0x3F9F] =	sst s1;
	(tag) =	ssettag s2;
	_ =	strace s9  }
0x27: {  	s1 =	sld [smem:$0x3FAF]  }
0x28: {  	s2 =	sld [smem:$0x3FB0]  }
0x29: {  	s4 =	sld [smem:$0x3FB2]  }
0x2a: {  	p0 =	seq.s32 s5, $0x0;
	s5 =	sld [smem:$0x3FB3]  }
0x2b: {  	s6 =	sld [smem:$0x3FB4]  }
0x2c: {  	s7 =	sld [smem:$0x3FB5]  }
0x2d: {  	s3 =	simm.s32 $0x108;
	s8 =	sld [smem:$0x3FB6]  }
0x2e: {  	s3 =	simm.s32 @!p0 $0x1082;
	s9 =	sld [smem:$0x3FB7]  }
0x2f: {  	lr =	sadd.s32 s0, s3;
	s0 =	sld [smem:$0x3FAE]  }
0x30: {  	s3 =	sld [smem:$0x3FB1]  }
0x31: {  	[smem:$0x3FBA] =	sst s10  }
0x32: {  	s10 =	sld [smem:$0x3FB8];
	_ =	sdelay $0x3  }
0x33: {  	p0 =	seq.s32 s10, $0x1;
	s10 =	sld [smem:$0x3FBA];
	_ =	sdelay $0x3  }
0x34: {  	[smem:$0x3FBA] =	sst s10  }
0x35: {  	s10 =	sld [smem:$0x3FB9];
	_ =	sdelay $0x3  }
0x36: {  	p1 =	seq.s32 s10, $0x1;
	s10 =	sld [smem:$0x3FBA];
	_ =	sdelay $0x3  }
0x37: {  	[smem:$0x3FBA] =	sst s10  }
0x38: {  	s10 =	sld [smem:$0x3FBB]  }
0x39: {  	_ = 	snop;
	(pc) =	sbr.ind lr, $3  }
0x3a: {  	_ = 	snop  }
0x3b: {  	_ = 	snop  }
0x3c: {  	p2 =	seq.s32 s10, $0x1;
	s10 =	sld [smem:$0x3FBA]  }
0x3d: {  	_ =	shalt  }
0x3e: {  	_ =	shalt  }
0x3f: {  	_ =	shalt  }
0x40: {  	_ =	shalt  }
0x41: {  	_ =	shalt  }
0x42: {  	_ =	shalt  }
0x43: {  	_ =	shalt  }
0x44: {  	_ =	shalt  }
0x45: {  	_ =	shalt  }
0x46: {  	_ =	shalt  }
0x47: {  	_ =	shalt  }
0x48: {  	_ =	shalt  }
0x49: {  	_ =	shalt  }
0x4a: {  	_ =	shalt  }
0x4b: {  	_ =	shalt  }
0x4c: {  	_ =	shalt  }
0x4d: {  	_ =	shalt  }
0x4e: {  	_ =	shalt  }
0x4f: {  	_ =	shalt  }
0x50: {  	_ =	shalt  }
0x51: {  	_ =	shalt  }
0x52: {  	_ =	shalt  }
0x53: {  	_ =	shalt  }
0x54: {  	_ =	shalt  }
0x55: {  	_ =	shalt  }
0x56: {  	_ =	shalt  }
0x57: {  	_ =	shalt  }
0x58: {  	_ =	shalt  }
0x59: {  	_ =	shalt  }
0x5a: {  	_ =	shalt  }
0x5b: {  	_ =	shalt  }
0x5c: {  	_ =	shalt  }
0x5d: {  	_ =	shalt  }
0x5e: {  	_ =	shalt  }
0x5f: {  	_ =	shalt  }
0x60: {  	_ =	shalt  }
0x61: {  	_ =	shalt  }
0x62: {  	_ =	shalt  }
0x63: {  	_ =	shalt  }
0x64: {  	_ =	shalt  }
0x65: {  	_ =	shalt  }
0x66: {  	_ =	shalt  }
0x67: {  	_ =	shalt  }
0x68: {  	_ =	shalt  }
0x69: {  	_ =	shalt  }
0x6a: {  	_ =	shalt  }
0x6b: {  	_ =	shalt  }
0x6c: {  	_ =	shalt  }
0x6d: {  	_ =	shalt  }
0x6e: {  	_ =	shalt  }
0x6f: {  	_ =	shalt  }
0x70: {  	_ =	shalt  }
0x71: {  	_ =	shalt  }
0x72: {  	_ =	shalt  }
0x73: {  	_ =	shalt  }
0x74: {  	_ =	shalt  }
0x75: {  	_ =	shalt  }
0x76: {  	_ =	shalt  }
0x77: {  	_ =	shalt  }
0x78: {  	_ =	shalt  }
0x79: {  	_ =	shalt  }
0x7a: {  	_ =	shalt  }
0x7b: {  	_ =	shalt  }
0x7c: {  	_ =	shalt  }
0x7d: {  	_ =	shalt  }
0x7e: {  	_ =	shalt  }
0x7f: {  	_ =	shalt  }
0x80: {  	_ =	shalt  }
0x81: {  	_ =	shalt  }
0x82: {  	_ =	shalt  }
0x83: {  	_ =	shalt  }
0x84: {  	_ =	shalt  }
0x85: {  	_ =	shalt  }
0x86: {  	_ =	shalt  }
0x87: {  	_ =	shalt  }
.Lfunc_end0:
.L_simem_size_0:
called_computation_lowered:
.L_overlay_start_0:
0x88: {  	s2 =	sld [smem:$0x3FD9]  }
0x89: {  	s3 =	sld [smem:$0x3FFE];
	_ =	sdelay $0x1  }
0x8a: {  	s1 =	srdreg.scid  }
0x8b: {  	s0 =	sand.u32 $0x1, s1  }
0x8c: {  	s18 =	sshll.u32 s0, $0xA;
	s2 =	sadd.s32 s3, s2  }
0x8d: {  	s2 =	sadd.s32 s2, s18  }
0x8e: {  	[smem:$0x3FC6] =	sst s2  }
0x8f: {  	_ = 	snop  }
0x90: {  	s2 =	sld [smem:$0x3FC9]  }
0x91: {  	s19 =	sld [smem:$0x3FC8]  }
0x92: {  	s4 =	sld [smem:$0x3FD0];
	(tm) =	ssettm $0x1  }
0x93: {  	s5 =	sld [smem:$0x3FFB];
	_ =	sdelay $0x3  }
0x94: {  	_ =	strace s5  }
0x95: {  	s5 =	sld [smem:$0x3FFC];
	_ =	sdelay $0x3  }
0x96: {  	_ =	strace s5  }
0x97: {  	s5 =	sld [smem:$0x3FFD];
	_ =	sdelay $0x3  }
0x98: {  	_ =	strace s5  }
0x99: {  	_ =	strace $0x8FFFFFFF  }
0x9a: {  	s20 =	sld [smem:$0x3FDB];
	_ =	sdelay $0x1  }
0x9b: {  	s6 =	simm.s32 $_scs_section_size  }
0x9c: {  	s7 =	simm.s32 $_size__tile_overlayer_lowered;
	s8 =	simm.s32 $_tile_overlayer_lowered  }
0x9d: {  	s23 =	simm.s32 $0x1BFF;
	s22 =	sshll.u32 s8, $0x1;
	s5 =	sadd.s32 s6, s20  }
0x9e: {  	s9 =	simm.s32 $0x0;
	s21 =	sshll.u32 s7, $0x1;
	s7 =	sadd.s32 s22, s5  }
0x9f: {  	[timem:s9], [sflag:s23] =	dma.local [hbm:s7], s21  }
0xa0: {  	_ =	swait.ge [sflag:s23], s21  }
0xa1: {  	s6 =	ssub.s32 $0x0, s21;
	[sflag:s23] =	ssyncset.done $0x0  }
0xa2: {  	[sflag:s23] =	ssyncadd.s32 s6;
	_ =	sdelay $0x1  }
0xa3: {  	s24 =	simm.s32 $0x1B8B  }
0xa4: {  	_ =	swait.ge [sflag:s24], $0x1  }
0xa5: {  	[sflag:s24] =	ssyncset.done $0x0  }
0xa6: {  	s25 =	simm.s32 $0x1B8E;
	[sflag:s24] =	ssyncadd.s32 $0xFFFFFFFF  }
0xa7: {  	s26 =	simm.s32 $execute0_lowered;
	[smem:$0x3FD2] =	sst s25  }
0xa8: {  	s6 =	sshll.u32 s26, $0x1;
	_ =	strace $0x80000046;
	[dreg:$0x1] =	wrdreg $0xFFFFFFFF  }
0xa9: {  	s28 =	simm.s32 $_size_execute0_lowered;
	s5 =	sadd.s32 s5, s6;
	[dreg:$0x0] =	wrdreg $0x0  }
0xaa: {  	s6 =	sshll.u32 s28, $0x1;
	[dreg:$0x2] =	wrdreg s5  }
0xab: {  	[dreg:$0x3] =	wrdreg s6  }
0xac: {  	[dreg:$0x4] =	wrdreg $0xC0  }
0xad: {  	_ =	task [dreg:s9], $0x5FFFF  }
0xae: {  	[dreg:$0x1] =	wrdreg $0xFFFFFFFF  }
0xaf: {  	[dreg:$0x0] =	wrdreg $0x60  }
0xb0: {  	[dreg:$0x2] =	wrdreg s2  }
0xb1: {  	[dreg:$0x3] =	wrdreg s19  }
0xb2: {  	[dreg:$0x4] =	wrdreg s4  }
0xb3: {  	[dreg:$0x5] =	wrdreg $0x102000  }
0xb4: {  	[dreg:$0x6] =	wrdreg $0x9  }
0xb5: {  	_ =	task.clear_ibuf [dreg:s9], $0x7FFFF;
	_ =	strace $0x90000046  }
0xb6: {  	s29 =	simm.s32 $0x9;
	_ =	strace $0x80000048  }
0xb7: {  	_ =	swait.ge [sflag:s29], $0x1  }
0xb8: {  	[sflag:s29] =	ssyncadd.s32 $0xFFFFFFFF  }
0xb9: {  	_ =	strace $0x90000048  }
0xba: {  	_ =	sfence  }
0xbb: {  	s30 =	sld [smem:$0x0];
	_ =	sdelay $0x2  }
0xbc: {  	s31 =	sshll.u32 s1, $0xD;
	s1 =	sshrl.u32 s1, $0x2  }
0xbd: {  	s3 =	sand.u32 $0x4000, s31;
	s1 =	sadd.s32 s1, s30  }
0xbe: {  	s0 =	sor.u32 s3, s0;
	s1 =	sshll.u32 s1, $0x11  }
0xbf: {  	s0 =	sor.u32 s1, s0  }
0xc0: {  	s0 =	sadd.s32 $0x8F2B, s0  }
0xc1: {  	[sflag:s0] =	ssyncadd.remote.s32 $0x1  }
0xc2: {  	_ =	sfence.sel $0xFFFF  }
0xc3: {  	[dreg:$0x0] =	wrdreg $0xFFFFFFFF;
	(pc) =	sbr.abs _section_cstart, $3  }
0xc4: {  	[dreg:$0x1] =	wrdreg $0xFFFFFFFF  }
0xc5: {  	_ =	task.clear_ibuf [dreg:s9], $0x2FFFF;
	_ =	strace $0x9FFFFFFF  }
0xc6: {  	(tm) =	ssettm $0x7FFFFFFF  }
0xc7: {  	_ =	shalt  }
tec
execute0_lowered:
.L_overlay_start_1:
0x0: {  	(tag) =	ssettag $0x1  }
0x1: {  	s4 =	rddreg [dreg:$0x0]  }
0x2: {  	s5 =	rddreg [dreg:$0x1]  }
0x3: {  	s6 =	rddreg [dreg:$0x2]  }
0x4: {  	s2 =	rddreg [dreg:$0x3]  }
0x5: {  	s1 =	stileid.u32;
	s3 =	simm.s32 $0x0;
	s0 =	srdreg.scid  }
0x6: {  	s7 =	sshll.u32 s1, $0x6;
	p0 =	seq.s32 s1, $0xF;
	[smem:$0x7FF] =	sst s3  }
0x7: {  	s0 =	sand.u32 $0x1, s0;
	s9 =	sshll.u32 s1, $0xA;
	s8 =	sor.u32 $0x1C0A, s7  }
0x8: {  	s7 =	simm.s32 @p0 $0x3A8;
	s10 =	sshll.u32 s0, $0x9;
	_ =	strace $0x80000047  }
0x9: {  	s11 =	sshll.u32 s7, $0x4;
	s9 =	sor.u32 s10, s9;
	[dreg:$0x6] =	wrdreg s8  }
0xa: {  	s5 =	sadd.s32 s5, s11;
	s14 =	sshrl.u32 s9, $0x3;
	s22 =	rddreg [dreg:$0x6]  }
0xb: {  	s9 =	sshll.u32 s9, $0x4;
	[dreg:$0x5] =	wrdreg s5;
	s5 =	sadd.s32 s4, s14  }
0xc: {  	s4 =	sadd.s32 s6, s9;
	[dreg:$0x7] =	wrdreg s5  }
0xd: {  	s15 =	sadd.s32 $0x400, s4;
	s24 =	rddreg [dreg:$0x5]  }
0xe: {  	s16 =	sadd.s32 $0x800, s4;
	[dreg:$0x8] =	wrdreg s15  }
0xf: {  	s17 =	sadd.s32 $0xC00, s4;
	[dreg:$0x9] =	wrdreg s16  }
0x10: {  	s18 =	sshll.u32 s7, $0x7;
	s19 =	sadd.s32 $0x1000, s4;
	[dreg:$0xa] =	wrdreg s17  }
0x11: {  	s6 =	sadd.s32 s18, s2;
	s20 =	sadd.s32 $0x1400, s4;
	[dreg:$0xb] =	wrdreg s19  }
0x12: {  	s21 =	sshrl.u32 s6, $0x3;
	[dreg:$0xc] =	wrdreg s20  }
0x13: {  	s23 =	sadd.s32 $0x1800, s4;
	[dreg:$0xf] =	wrdreg s21  }
0x14: {  	s25 =	sadd.s32 $0x1C00, s4;
	[dreg:$0xd] =	wrdreg s23  }
0x15: {  	[dreg:$0xe] =	wrdreg s25  }
0x16: {  	s5 =	rddreg [dreg:$0xf]  }
0x17: {  	[spmem:s5], [sflag:s22] =	dma.local [hbm:s24], $0x400  }
0x18: {  	s5 =	simm.s32 $0xB;
	s6 =	rddreg [dreg:$0x7]  }
0x19: {  	[tilespmem:s3], [sflag:$0xB] =	stream.linear.gather [hbm4b:s6+s3], $0x200, $0x38;
	[tilespmem:$0x12140] =	vst v63  }
0x1a: {  	_ =	swait.ge [sflag:s5], $0x200  }
0x1b: {  	[sflag:s5] =	ssyncset.done $0x0  }
0x1c: {  	s6 =	simm.s32 $0xA;
	[sflag:s5] =	ssyncadd.s32 $0xFFFFFE00  }
0x1d: {  	_ =	swait.ge [sflag:s6], $0x400  }
0x1e: {  	[sflag:s6] =	ssyncset.done $0x0  }
0x1f: {  	[sflag:s6] =	ssyncadd.s32 $0xFFFFFC00  }
0x20: {  	s7 =	simm.s32 $0x40;
	s8 =	simm.s32 $0x200;
	[bflag:$0x0] =	sbarrier.arrive $0xFFFF  }
0x21: {  	[tilespmem:s8], [sflag:$0x1] =	stream.indirect.gather [spmem:s2], $0x80, s3, s7, $0xb8;
	[tilespmem:$0x12140] =	vst v63  }
0x22: {  	s9 =	simm.s32 $0x2200  }
0x23: {  	[tilespmem:s9], [sflag:$0x2] =	stream.indirect.gather [spmem:s2], $0x80, s7, s7, $0xb8;
	[tilespmem:$0x12140] =	vst v63  }
0x24: {  	s26 =	simm.s32 $0x80;
	s11 =	simm.s32 $0x4200  }
0x25: {  	[tilespmem:s11], [sflag:$0x3] =	stream.indirect.gather [spmem:s2], $0x80, s26, s7, $0xb8;
	[tilespmem:$0x12140] =	vst v63  }
0x26: {  	s13 =	simm.s32 $0x6200;
	s10 =	simm.s32 $0xC0  }
0x27: {  	[tilespmem:s13], [sflag:$0x4] =	stream.indirect.gather [spmem:s2], $0x80, s10, s7, $0xb8;
	[tilespmem:$0x12140] =	vst v63  }
0x28: {  	s14 =	simm.s32 $0x100;
	s15 =	simm.s32 $0x8200  }
0x29: {  	[tilespmem:s15], [sflag:$0x5] =	stream.indirect.gather [spmem:s2], $0x80, s14, s7, $0xb8;
	[tilespmem:$0x12140] =	vst v63  }
0x2a: {  	s16 =	simm.s32 $0x140;
	s17 =	simm.s32 $0xA200  }
0x2b: {  	[tilespmem:s17], [sflag:$0x6] =	stream.indirect.gather [spmem:s2], $0x80, s16, s7, $0xb8;
	[tilespmem:$0x12140] =	vst v63  }
0x2c: {  	s18 =	simm.s32 $0x180;
	s19 =	simm.s32 $0xC200  }
0x2d: {  	[tilespmem:s19], [sflag:$0x7] =	stream.indirect.gather [spmem:s2], $0x80, s18, s7, $0xb8;
	[tilespmem:$0x12140] =	vst v63  }
0x2e: {  	s20 =	simm.s32 $0x1C0;
	s21 =	simm.s32 $0xE200;
	s22 =	simm.s32 $0x1  }
0x2f: {  	[tilespmem:s21], [sflag:$0x8] =	stream.indirect.gather [spmem:s2], $0x80, s20, s7, $0xb8;
	[tilespmem:$0x12140] =	vst v63  }
0x30: {  	_ =	swait.ge [sflag:s22], $0x2000  }
0x31: {  	[sflag:s22] =	ssyncset.done $0x0  }
0x32: {  	s23 =	simm.s32 $0x2;
	[sflag:s22] =	ssyncadd.s32 $0xFFFFE000  }
0x33: {  	[hbm4b:s4+s3] =	stream.linear.scatter [tilespmem:s8], [sflag:$0x9], $0x2000, $0x38;
	[tilespmem:$0x12140] =	vst v63  }
0x34: {  	_ =	swait.ge [sflag:s23], $0x2000  }
0x35: {  	[sflag:s23] =	ssyncset.done $0x0  }
0x36: {  	s24 =	rddreg [dreg:$0x8];
	[sflag:s23] =	ssyncadd.s32 $0xFFFFE000  }
0x37: {  	[hbm4b:s24+s3] =	stream.linear.scatter [tilespmem:s9], [sflag:$0x9], $0x2000, $0x38;
	[tilespmem:$0x12140] =	vst v63  }
0x38: {  	s24 =	simm.s32 $0x3  }
0x39: {  	_ =	swait.ge [sflag:s24], $0x2000  }
0x3a: {  	[sflag:s24] =	ssyncset.done $0x0  }
0x3b: {  	s25 =	rddreg [dreg:$0x9];
	[sflag:s24] =	ssyncadd.s32 $0xFFFFE000  }
0x3c: {  	[hbm4b:s25+s3] =	stream.linear.scatter [tilespmem:s11], [sflag:$0x9], $0x2000, $0x38;
	[tilespmem:$0x12140] =	vst v63  }
0x3d: {  	s25 =	simm.s32 $0x4  }
0x3e: {  	_ =	swait.ge [sflag:s25], $0x2000  }
0x3f: {  	[sflag:s25] =	ssyncset.done $0x0  }
0x40: {  	s26 =	rddreg [dreg:$0xa];
	[sflag:s25] =	ssyncadd.s32 $0xFFFFE000  }
0x41: {  	[hbm4b:s26+s3] =	stream.linear.scatter [tilespmem:s13], [sflag:$0x9], $0x2000, $0x38;
	[tilespmem:$0x12140] =	vst v63  }
0x42: {  	s26 =	simm.s32 $0x5  }
0x43: {  	_ =	swait.ge [sflag:s26], $0x2000  }
0x44: {  	[sflag:s26] =	ssyncset.done $0x0  }
0x45: {  	s28 =	rddreg [dreg:$0xb];
	[sflag:s26] =	ssyncadd.s32 $0xFFFFE000  }
0x46: {  	[hbm4b:s28+s3] =	stream.linear.scatter [tilespmem:s15], [sflag:$0x9], $0x2000, $0x38;
	[tilespmem:$0x12140] =	vst v63  }
0x47: {  	s28 =	simm.s32 $0x6  }
0x48: {  	_ =	swait.ge [sflag:s28], $0x2000  }
0x49: {  	[sflag:s28] =	ssyncset.done $0x0  }
0x4a: {  	s29 =	rddreg [dreg:$0xc];
	[sflag:s28] =	ssyncadd.s32 $0xFFFFE000  }
0x4b: {  	[hbm4b:s29+s3] =	stream.linear.scatter [tilespmem:s17], [sflag:$0x9], $0x2000, $0x38;
	[tilespmem:$0x12140] =	vst v63  }
0x4c: {  	s29 =	simm.s32 $0x7  }
0x4d: {  	s0 =	ssub.s32 $0x2, s0;
	_ =	swait.ge [sflag:s29], $0x2000  }
0x4e: {  	s12 =	sshrl.u32 s0, $0x1;
	[sflag:s29] =	ssyncset.done $0x0  }
0x4f: {  	s0 =	ssub.s32 s0, s12;
	s30 =	rddreg [dreg:$0xd];
	[sflag:s29] =	ssyncadd.s32 $0xFFFFE000  }
0x50: {  	[hbm4b:s30+s3] =	stream.linear.scatter [tilespmem:s19], [sflag:$0x9], $0x2000, $0x38;
	[tilespmem:$0x12140] =	vst v63  }
0x51: {  	s0 =	smax.u32 s0, $0x1;
	s30 =	simm.s32 $0x8  }
0x52: {  	p0 =	sne.s32 s0, $0x1;
	_ =	swait.ge [sflag:s30], $0x2000  }
.Ltmp0:
0x53: {  	[sflag:s30] =	ssyncset.done $0x0;
	(pc) =	sbr.rel @!p0 .LBB2_2-.Ltmp0, $4  }
0x54: {  	s31 =	rddreg [dreg:$0xe];
	[sflag:s30] =	ssyncadd.s32 $0xFFFFE000  }
0x55: {  	[hbm4b:s31+s3] =	stream.linear.scatter [tilespmem:s21], [sflag:$0x9], $0x2000, $0x38;
	[tilespmem:$0x12140] =	vst v63  }
0x56: {  	s31 =	simm.s32 $0x9  }
0x57: {  	s0 =	sadd.s32 $0xFFFFFFFF, s0;
	_ =	swait.ge [sflag:s31], $0x10000  }
.LBB2_1:
0x58: {  	s1 =	rddreg [dreg:$0xf]  }
0x59: {  	[sflag:s31] =	ssyncset.done $0x0;
	s10 =	rddreg [dreg:$0x6]  }
0x5a: {  	s12 =	rddreg [dreg:$0x5];
	[sflag:s31] =	ssyncadd.s32 $0xFFFF0000  }
0x5b: {  	[spmem:s1], [sflag:s10] =	dma.local [hbm:s12], $0x400  }
0x5c: {  	s1 =	rddreg [dreg:$0x7]  }
0x5d: {  	[tilespmem:s3], [sflag:$0xB] =	stream.linear.gather [hbm4b:s1+s3], $0x200, $0x38;
	[tilespmem:$0x12140] =	vst v63  }
0x5e: {  	_ =	swait.ge [sflag:s5], $0x200  }
0x5f: {  	[sflag:s5] =	ssyncset.done $0x0  }
0x60: {  	[sflag:s5] =	ssyncadd.s32 $0xFFFFFE00  }
0x61: {  	_ =	swait.ge [sflag:s6], $0x400  }
0x62: {  	[sflag:s6] =	ssyncset.done $0x0  }
0x63: {  	[sflag:s6] =	ssyncadd.s32 $0xFFFFFC00  }
0x64: {  	[bflag:$0x0] =	sbarrier.arrive $0xFFFF  }
0x65: {  	[tilespmem:s8], [sflag:$0x1] =	stream.indirect.gather [spmem:s2], $0x80, s3, s7, $0xb8;
	[tilespmem:$0x12140] =	vst v63  }
0x66: {  	_ = 	snop  }
0x67: {  	[tilespmem:s9], [sflag:$0x2] =	stream.indirect.gather [spmem:s2], $0x80, s7, s7, $0xb8;
	[tilespmem:$0x12140] =	vst v63  }
0x68: {  	s12 =	simm.s32 $0x80  }
0x69: {  	[tilespmem:s11], [sflag:$0x3] =	stream.indirect.gather [spmem:s2], $0x80, s12, s7, $0xb8;
	[tilespmem:$0x12140] =	vst v63  }
0x6a: {  	s10 =	simm.s32 $0xC0  }
0x6b: {  	[tilespmem:s13], [sflag:$0x4] =	stream.indirect.gather [spmem:s2], $0x80, s10, s7, $0xb8;
	[tilespmem:$0x12140] =	vst v63  }
0x6c: {  	_ = 	snop  }
0x6d: {  	[tilespmem:s15], [sflag:$0x5] =	stream.indirect.gather [spmem:s2], $0x80, s14, s7, $0xb8;
	[tilespmem:$0x12140] =	vst v63  }
0x6e: {  	_ = 	snop  }
0x6f: {  	[tilespmem:s17], [sflag:$0x6] =	stream.indirect.gather [spmem:s2], $0x80, s16, s7, $0xb8;
	[tilespmem:$0x12140] =	vst v63  }
0x70: {  	_ = 	snop  }
0x71: {  	[tilespmem:s19], [sflag:$0x7] =	stream.indirect.gather [spmem:s2], $0x80, s18, s7, $0xb8;
	[tilespmem:$0x12140] =	vst v63  }
0x72: {  	_ = 	snop  }
0x73: {  	[tilespmem:s21], [sflag:$0x8] =	stream.indirect.gather [spmem:s2], $0x80, s20, s7, $0xb8;
	[tilespmem:$0x12140] =	vst v63  }
0x74: {  	_ =	swait.ge [sflag:s22], $0x2000  }
0x75: {  	[sflag:s22] =	ssyncset.done $0x0  }
0x76: {  	[sflag:s22] =	ssyncadd.s32 $0xFFFFE000  }
0x77: {  	[hbm4b:s4+s3] =	stream.linear.scatter [tilespmem:s8], [sflag:$0x9], $0x2000, $0x38;
	[tilespmem:$0x12140] =	vst v63  }
0x78: {  	_ =	swait.ge [sflag:s23], $0x2000  }
0x79: {  	[sflag:s23] =	ssyncset.done $0x0  }
0x7a: {  	s12 =	rddreg [dreg:$0x8];
	[sflag:s23] =	ssyncadd.s32 $0xFFFFE000  }
0x7b: {  	[hbm4b:s12+s3] =	stream.linear.scatter [tilespmem:s9], [sflag:$0x9], $0x2000, $0x38;
	[tilespmem:$0x12140] =	vst v63  }
0x7c: {  	_ =	swait.ge [sflag:s24], $0x2000  }
0x7d: {  	[sflag:s24] =	ssyncset.done $0x0  }
0x7e: {  	s10 =	rddreg [dreg:$0x9];
	[sflag:s24] =	ssyncadd.s32 $0xFFFFE000  }
0x7f: {  	[hbm4b:s10+s3] =	stream.linear.scatter [tilespmem:s11], [sflag:$0x9], $0x2000, $0x38;
	[tilespmem:$0x12140] =	vst v63  }
0x80: {  	_ =	swait.ge [sflag:s25], $0x2000  }
0x81: {  	[sflag:s25] =	ssyncset.done $0x0  }
0x82: {  	s12 =	rddreg [dreg:$0xa];
	[sflag:s25] =	ssyncadd.s32 $0xFFFFE000  }
0x83: {  	[hbm4b:s12+s3] =	stream.linear.scatter [tilespmem:s13], [sflag:$0x9], $0x2000, $0x38;
	[tilespmem:$0x12140] =	vst v63  }
0x84: {  	_ =	swait.ge [sflag:s26], $0x2000  }
0x85: {  	[sflag:s26] =	ssyncset.done $0x0  }
0x86: {  	s10 =	rddreg [dreg:$0xb];
	[sflag:s26] =	ssyncadd.s32 $0xFFFFE000  }
0x87: {  	[hbm4b:s10+s3] =	stream.linear.scatter [tilespmem:s15], [sflag:$0x9], $0x2000, $0x38;
	[tilespmem:$0x12140] =	vst v63  }
0x88: {  	_ =	swait.ge [sflag:s28], $0x2000  }
0x89: {  	[sflag:s28] =	ssyncset.done $0x0  }
0x8a: {  	s12 =	rddreg [dreg:$0xc];
	[sflag:s28] =	ssyncadd.s32 $0xFFFFE000  }
0x8b: {  	[hbm4b:s12+s3] =	stream.linear.scatter [tilespmem:s17], [sflag:$0x9], $0x2000, $0x38;
	[tilespmem:$0x12140] =	vst v63  }
0x8c: {  	_ =	swait.ge [sflag:s29], $0x2000  }
0x8d: {  	[sflag:s29] =	ssyncset.done $0x0  }
0x8e: {  	p0 =	sne.s32 s0, $0x1;
	s10 =	rddreg [dreg:$0xd];
	[sflag:s29] =	ssyncadd.s32 $0xFFFFE000  }
0x8f: {  	[hbm4b:s10+s3] =	stream.linear.scatter [tilespmem:s19], [sflag:$0x9], $0x2000, $0x38;
	[tilespmem:$0x12140] =	vst v63  }
.Ltmp1:
0x90: {  	_ =	swait.ge [sflag:s30], $0x2000;
	(pc) =	sbr.rel @p0 .LBB2_1-.Ltmp1, $4  }
0x91: {  	[sflag:s30] =	ssyncset.done $0x0  }
0x92: {  	s12 =	rddreg [dreg:$0xe];
	[sflag:s30] =	ssyncadd.s32 $0xFFFFE000  }
0x93: {  	[hbm4b:s12+s3] =	stream.linear.scatter [tilespmem:s21], [sflag:$0x9], $0x2000, $0x38;
	[tilespmem:$0x12140] =	vst v63  }
0x94: {  	s0 =	sadd.s32 $0xFFFFFFFF, s0;
	_ =	swait.ge [sflag:s31], $0x10000  }
.LBB2_2:
0x95: {  	[sflag:s31] =	ssyncset.done $0x0  }
0x96: {  	[sflag:s31] =	ssyncadd.s32 $0xFFFF0000  }
0x97: {  	_ =	sfence.sel $0x180000  }
0x98: {  	[bflag:$0x0] =	sbarrier.arrive $0xFFFF  }
0x99: {  	_ =	strace $0x90000047  }
0x9a: {  	s0 =	stileid.u32;
	[bflag:$0x2] =	sbarrier.arrive $0xFFFF  }
0x9b: {  	p0 =	sne.s32 s0, $0x0;
	s0 =	rddreg [dreg:$0x4]  }
0x9c: {  	s0 =	sadd.s32 @!p0 $0x100000, s0  }
0x9d: {  	[sflag:s0] =	ssyncadd.tile.s32 @!p0 $0x1;
	_ =	shalt  }
.Lfunc_end2:
_tile_overlayer_lowered:
.L_overlay_start_2:
0x9e: {  	(tag) =	ssettag $0x2  }
0x9f: {  	s0 =	rddreg [dreg:$0x0];
	s2 =	stileid.u32  }
0xa0: {  	s1 =	rddreg [dreg:$0x1];
	p0 =	sne.s32 s2, $0x0  }
0xa1: {  	s3 =	rddreg [dreg:$0x2];
	[bflag:$0x3] =	sbarrier.arrive $0xFFFF;
	s2 =	simm.s32 @!p0 $0x1C0B  }
0xa2: {  	[timem:s3], [sflag:s2] =	dma.local @!p0 [hbm:s0], s1  }
0xa3: {  	s0 =	simm.s32 @!p0 $0xB  }
0xa4: {  	_ =	swait.ge @!p0 [sflag:s0], s1  }
0xa5: {  	s1 =	ssub.s32 @!p0 $0x0, s1;
	[sflag:s0] =	ssyncset.done @!p0 $0x0  }
0xa6: {  	[sflag:s0] =	ssyncadd.s32 @!p0 s1  }
0xa7: {  	[bflag:$0x3] =	sbarrier.arrive $0xFFFF  }
0xa8: {  	_ =	shalt  }

</sc_bundles>
